<compile_context>
chip_gen: v7x
topology: tpu7x:2x2x1
jax: 0.10.2.dev20260603
libtpu: 0.0.44.dev20260713+nightly
codegen_flags: <defaults>
</compile_context>

<pallas_src>
import functools
import jax
import jax.numpy as jnp
from jax import lax
from jax.experimental import pallas as pl
from jax.experimental.pallas import tpu as pltpu
from jax.experimental.pallas import tpu_sc as plsc

_E = 64
_K = 8
_TEMP = 1.0
_EPS = 1e-6
_TILE = 512
_NC = 2
_NS = 16
_NW = _NC * _NS
_L = 16


def _topk_kernel(logits_hbm, idx_hbm, logits_v, idx_v):
    n = logits_hbm.shape[0]
    tpw = n // _NW
    wid = lax.axis_index("s") * _NC + lax.axis_index("c")
    base = wid * tpw
    pltpu.sync_copy(logits_hbm.at[pl.ds(base, tpw)], logits_v)
    lane = lax.iota(jnp.int32, _L)
    lo8 = lane < 8

    def merge(ak, av, bk, bv):
        mk = jnp.where(lo8, ak, lax.rev(bk, (0,)))
        mv = jnp.where(lo8, av, lax.rev(bv, (0,)))
        return plsc.sort_key_val(mk, mv, descending=True)

    @plsc.parallel_loop(0, tpw, 1)
    def body(t):
        ks, vs = [], []
        for j in range(4):
            lj = logits_v[t, pl.ds(16 * j, _L)]
            kj, vj = plsc.sort_key_val(lj, lane + 16 * j, descending=True)
            ks.append(kj)
            vs.append(vj)
        k01, v01 = merge(ks[0], vs[0], ks[1], vs[1])
        k23, v23 = merge(ks[2], vs[2], ks[3], vs[3])
        _, fv = merge(k01, v01, k23, v23)
        idx_v[t, :] = fv

    pltpu.sync_copy(idx_v, idx_hbm.at[pl.ds(base, tpw)])


def _mix_kernel(hall_ref, limes_ref, idxkn_ref, pmix_ref, scale_ref):
    i = pl.program_id(0)

    @pl.when(i == 0)
    def _():
        scale_ref[0, 0] = jnp.maximum(jnp.max(jnp.abs(hall_ref[...])), _EPS)

    inv = (1.0 / scale_ref[0, 0]) * (1.0 / max(_TEMP, _EPS))
    logits = hall_ref[:, pl.ds(i * _TILE, _TILE)] * inv
    m = jnp.max(logits, axis=0, keepdims=True)
    p = jnp.exp(logits - m)
    iota = jax.lax.broadcasted_iota(jnp.int32, logits.shape, 0)
    idxb = idxkn_ref[...]
    mask = jnp.zeros(logits.shape, jnp.bool_)
    for k in range(_K):
        mask = jnp.logical_or(mask, iota == idxb[k:k + 1, :])
    wm = jnp.where(mask, p, 0.0)
    wsum = jnp.sum(wm, axis=0, keepdims=True)
    w = wm / wsum
    pmix_ref[...] = jax.lax.dot_general(
        w, limes_ref[...], (((0,), (0,)), ((), ())),
        preferred_element_type=jnp.float32,
    )


@jax.jit
def kernel(H, LiMEs):
    B, T, D = H.shape
    N = B * T
    Hs = H.reshape(N, D)[:, :_E]

    tpw = N // _NW
    mesh = plsc.VectorSubcoreMesh(core_axis_name="c", subcore_axis_name="s")
    topk = functools.partial(
        pl.kernel,
        mesh=mesh,
        out_type=jax.ShapeDtypeStruct((N, _L), jnp.int32),
        scratch_types=[
            pltpu.VMEM((tpw, _E), jnp.float32),
            pltpu.VMEM((tpw, _L), jnp.int32),
        ],
        compiler_params=pltpu.CompilerParams(needs_layout_passes=False),
    )(_topk_kernel)
    idx16 = topk(Hs)
    idx8 = idx16[:, :_K]
    idxKN = idx8.T

    grid = (N // _TILE,)
    pmix = pl.pallas_call(
        _mix_kernel,
        grid=grid,
        in_specs=[
            pl.BlockSpec((_E, N), lambda i: (0, 0)),
            pl.BlockSpec((_E, D), lambda i: (0, 0)),
            pl.BlockSpec((_K, _TILE), lambda i: (0, i)),
        ],
        out_specs=pl.BlockSpec((_TILE, D), lambda i: (i, 0)),
        out_shape=jax.ShapeDtypeStruct((N, D), jnp.float32),
        scratch_shapes=[pltpu.SMEM((1, 1), jnp.float32)],
    )(Hs.T, LiMEs, idxKN)

    return pmix.reshape(B, T, D), idx8.reshape(B, T, _K)

# --- scband reference (transcript-rebuilt; emitter-appended) ---
"""Pipeline reference for scband-slice-fine-li-meembedding-17325898072235 (READ-ONLY COPY).

The authoritative reference and input builder live on the scoring server;
editing this copy changes nothing except your own understanding.
"""

import jax, jax.numpy as jnp
import numpy as np

B = 4
T = 2048
D = 4096
E = 64
K = 8
TEMP = 1.0
EPS = 1e-6


def setup_inputs(seed: int = 0) -> dict:
    key = jax.random.key(seed)
    k1, k2 = jax.random.split(key)
    H = jax.random.normal(k1, (B, T, D), dtype=jnp.float32)
    LiMEs = jax.random.normal(k2, (E, D), dtype=jnp.float32) * 0.02
    return {"H": H, "LiMEs": LiMEs}


def reference(H, LiMEs):
    # ROW-MODE routing: slice first E dims of hidden state as routing logits
    H_slice = H[..., :E]  # (B, T, E)
    # _routing_softmax: scale by global max-abs, temperature, softmax
    H_scale = jnp.maximum(jnp.max(jnp.abs(H_slice)), EPS)
    logits = H_slice / H_scale
    logits = logits * (1.0 / max(TEMP, EPS))
    probs = jax.nn.softmax(logits, axis=-1)  # (B, T, E)
    # _sparse_topk: top-k gather of LiME expert embeddings + weighted sum
    topk_vals, topk_idx = jax.lax.top_k(probs, K)  # (B, T, K)
    topk_vals = topk_vals / jnp.clip(jnp.sum(topk_vals, axis=-1, keepdims=True), 1e-9, None)
    selected = LiMEs[topk_idx]  # (B, T, K, D) gather
    p_mix = jnp.sum(topk_vals[..., None] * selected, axis=-2)  # (B, T, D)
    return p_mix, topk_idx

if __name__ == "__main__":
    import jax
    _d = setup_inputs()
    print(jax.jit(kernel)(*tuple(_d.values())))

</pallas_src>

<mosaic_0001>
#map = affine_map<(d0, d1) -> (0, 0)>
module attributes {stable_mosaic.version = 14 : i64} {
  func.func @_topk_kernel(%arg0: i32, %arg1: i32, %arg2: memref<8192x64xf32, #tpu.memory_space<hbm>>, %arg3: memref<8192x16xi32, #tpu.memory_space<hbm>>, %arg4: memref<256x64xf32, #tpu.memory_space<vmem>>, %arg5: memref<256x16xi32, #tpu.memory_space<vmem>>) attributes {dimension_semantics = [#tpu.dimension_semantics<core_parallel>, #tpu.dimension_semantics<subcore_parallel>], iteration_bounds = array<i64: 2, 16>, scalar_prefetch = 0 : i64, scratch_operands = 2 : i64, tpu.core_type = #tpu.core_type<sc_vector_subcore>, window_params = [{transform_indices = #map}, {transform_indices = #map}]} {
    %mul3A = arith.constant 2 : i32
    %mul3A_0 = arith.muli %arg1, %mul3A : i32
    %add3A = arith.addi %mul3A_0, %arg0 : i32
    %mul3A_1 = arith.constant 256 : i32
    %mul3A_2 = arith.muli %add3A, %mul3A_1 : i32
    "tpu.region"() ({
      %run_scoped3A = tpu.sem_alloc : memref<!tpu.dma_semaphore, #tpu.memory_space<semaphore_mem>>
      %dma_start3A = arith.constant 0 : i32
      %dma_start3A_7 = tpu.memref_slice %arg2[%mul3A_2, %dma_start3A] : memref<8192x64xf32, #tpu.memory_space<hbm>> -> memref<256x64xf32, #tpu.memory_space<hbm>>
      %dma_start3A_8 = arith.constant 0 : i32
      %dma_start3A_9 = tpu.memref_slice %arg2[%mul3A_2, %dma_start3A_8] : memref<8192x64xf32, #tpu.memory_space<hbm>> -> memref<256x64xf32, #tpu.memory_space<hbm>>
      tpu.enqueue_dma source(%dma_start3A_9 : memref<256x64xf32, #tpu.memory_space<hbm>>) target(%arg4 : memref<256x64xf32, #tpu.memory_space<vmem>>) target_semaphore(%run_scoped3A : memref<!tpu.dma_semaphore, #tpu.memory_space<semaphore_mem>>)
      %dma_wait3A = arith.constant 0 : i32
      %dma_wait3A_10 = tpu.memref_slice %arg2[%mul3A_2, %dma_wait3A] : memref<8192x64xf32, #tpu.memory_space<hbm>> -> memref<256x64xf32, #tpu.memory_space<hbm>>
      %dma_wait3A_11 = arith.constant 0 : i32
      %dma_wait3A_12 = tpu.memref_slice %arg2[%mul3A_2, %dma_wait3A_11] : memref<8192x64xf32, #tpu.memory_space<hbm>> -> memref<256x64xf32, #tpu.memory_space<hbm>>
      tpu.wait_dma2 semaphore(%run_scoped3A : memref<!tpu.dma_semaphore, #tpu.memory_space<semaphore_mem>>) src(%dma_wait3A_12 : memref<256x64xf32, #tpu.memory_space<hbm>>) dst(%arg4 : memref<256x64xf32, #tpu.memory_space<vmem>>)
      tpu.yield
    }) : () -> ()
    %iota3A = tpu.iota {dimensions = array<i32: 0>} : vector<16xi32>
    %lt3A = arith.constant 8 : i32
    %lt3A_3 = vector.broadcast %lt3A : i32 to vector<16xi32>
    %lt3A_4 = arith.cmpi slt, %iota3A, %lt3A_3 : vector<16xi32>
    %parallel_loop3A = arith.constant 0 : i32
    %parallel_loop3A_5 = arith.constant 256 : i32
    %parallel_loop3A_6 = arith.constant 1 : i32
    scf.for %parallel_loop3A_7 = %parallel_loop3A to %parallel_loop3A_5 step %parallel_loop3A_6  : i32 {
      %parallel_loop3A_8 = arith.index_cast %parallel_loop3A_7 : i32 to index
      %parallel_loop3A_9 = arith.constant 0 : index
      %parallel_loop3A_10 = tpu.vector_load %arg4[%parallel_loop3A_8, %parallel_loop3A_9] {strides = array<i32>} : memref<256x64xf32, #tpu.memory_space<vmem>>, vector<16xf32>,
      %parallel_loop3A_11 = arith.constant 0 : i32
      %parallel_loop3A_12 = vector.broadcast %parallel_loop3A_11 : i32 to vector<16xi32>
      %parallel_loop3A_13 = arith.addi %iota3A, %parallel_loop3A_12 : vector<16xi32>
      %parallel_loop3A_14 = arith.constant dense<true> : vector<16xi1>
      %parallel_loop3A_15, %parallel_loop3A_16, %parallel_loop3A_17 = tpu.sort %parallel_loop3A_10, %parallel_loop3A_13 masked %parallel_loop3A_14 {descending = true} : (vector<16xf32>, vector<16xi32>, vector<16xi1>) -> (vector<16xi1>, vector<16xf32>, vector<16xi32>)
      %parallel_loop3A_18 = arith.index_cast %parallel_loop3A_7 : i32 to index
      %parallel_loop3A_19 = arith.constant 16 : index
      %parallel_loop3A_20 = tpu.vector_load %arg4[%parallel_loop3A_18, %parallel_loop3A_19] {strides = array<i32>} : memref<256x64xf32, #tpu.memory_space<vmem>>, vector<16xf32>,
      %parallel_loop3A_21 = arith.constant 16 : i32
      %parallel_loop3A_22 = vector.broadcast %parallel_loop3A_21 : i32 to vector<16xi32>
      %parallel_loop3A_23 = arith.addi %iota3A, %parallel_loop3A_22 : vector<16xi32>
      %parallel_loop3A_24 = arith.constant dense<true> : vector<16xi1>
      %parallel_loop3A_25, %parallel_loop3A_26, %parallel_loop3A_27 = tpu.sort %parallel_loop3A_20, %parallel_loop3A_23 masked %parallel_loop3A_24 {descending = true} : (vector<16xf32>, vector<16xi32>, vector<16xi1>) -> (vector<16xi1>, vector<16xf32>, vector<16xi32>)
      %parallel_loop3A_28 = arith.index_cast %parallel_loop3A_7 : i32 to index
      %parallel_loop3A_29 = arith.constant 32 : index
      %parallel_loop3A_30 = tpu.vector_load %arg4[%parallel_loop3A_28, %parallel_loop3A_29] {strides = array<i32>} : memref<256x64xf32, #tpu.memory_space<vmem>>, vector<16xf32>,
      %parallel_loop3A_31 = arith.constant 32 : i32
      %parallel_loop3A_32 = vector.broadcast %parallel_loop3A_31 : i32 to vector<16xi32>
      %parallel_loop3A_33 = arith.addi %iota3A, %parallel_loop3A_32 : vector<16xi32>
      %parallel_loop3A_34 = arith.constant dense<true> : vector<16xi1>
      %parallel_loop3A_35, %parallel_loop3A_36, %parallel_loop3A_37 = tpu.sort %parallel_loop3A_30, %parallel_loop3A_33 masked %parallel_loop3A_34 {descending = true} : (vector<16xf32>, vector<16xi32>, vector<16xi1>) -> (vector<16xi1>, vector<16xf32>, vector<16xi32>)
      %parallel_loop3A_38 = arith.index_cast %parallel_loop3A_7 : i32 to index
      %parallel_loop3A_39 = arith.constant 48 : index
      %parallel_loop3A_40 = tpu.vector_load %arg4[%parallel_loop3A_38, %parallel_loop3A_39] {strides = array<i32>} : memref<256x64xf32, #tpu.memory_space<vmem>>, vector<16xf32>,
      %parallel_loop3A_41 = arith.constant 48 : i32
      %parallel_loop3A_42 = vector.broadcast %parallel_loop3A_41 : i32 to vector<16xi32>
      %parallel_loop3A_43 = arith.addi %iota3A, %parallel_loop3A_42 : vector<16xi32>
      %parallel_loop3A_44 = arith.constant dense<true> : vector<16xi1>
      %parallel_loop3A_45, %parallel_loop3A_46, %parallel_loop3A_47 = tpu.sort %parallel_loop3A_40, %parallel_loop3A_43 masked %parallel_loop3A_44 {descending = true} : (vector<16xf32>, vector<16xi32>, vector<16xi1>) -> (vector<16xi1>, vector<16xf32>, vector<16xi32>)
      %parallel_loop3A_48 = arith.constant 15 : i32
      %parallel_loop3A_49 = vector.broadcast %parallel_loop3A_48 : i32 to vector<16xi32>
      %parallel_loop3A_50 = tpu.iota {dimensions = array<i32: 0>} : vector<16xi32>
      %parallel_loop3A_51 = arith.subi %parallel_loop3A_49, %parallel_loop3A_50 : vector<16xi32>
      %parallel_loop3A_52 = tpu.dynamic_gather %parallel_loop3A_26[%parallel_loop3A_51] in [0] : vector<16xf32>, vector<16xi32> -> vector<16xf32>
      %parallel_loop3A_53 = arith.select %lt3A_4, %parallel_loop3A_16, %parallel_loop3A_52 : vector<16xi1>, vector<16xf32>
      %parallel_loop3A_54 = arith.constant 15 : i32
      %parallel_loop3A_55 = vector.broadcast %parallel_loop3A_54 : i32 to vector<16xi32>
      %parallel_loop3A_56 = tpu.iota {dimensions = array<i32: 0>} : vector<16xi32>
      %parallel_loop3A_57 = arith.subi %parallel_loop3A_55, %parallel_loop3A_56 : vector<16xi32>
      %parallel_loop3A_58 = tpu.dynamic_gather %parallel_loop3A_27[%parallel_loop3A_57] in [0] : vector<16xi32>, vector<16xi32> -> vector<16xi32>
      %parallel_loop3A_59 = arith.select %lt3A_4, %parallel_loop3A_17, %parallel_loop3A_58 : vector<16xi1>, vector<16xi32>
      %parallel_loop3A_60 = arith.constant dense<true> : vector<16xi1>
      %parallel_loop3A_61, %parallel_loop3A_62, %parallel_loop3A_63 = tpu.sort %parallel_loop3A_53, %parallel_loop3A_59 masked %parallel_loop3A_60 {descending = true} : (vector<16xf32>, vector<16xi32>, vector<16xi1>) -> (vector<16xi1>, vector<16xf32>, vector<16xi32>)
      %parallel_loop3A_64 = arith.constant 15 : i32
      %parallel_loop3A_65 = vector.broadcast %parallel_loop3A_64 : i32 to vector<16xi32>
      %parallel_loop3A_66 = tpu.iota {dimensions = array<i32: 0>} : vector<16xi32>
      %parallel_loop3A_67 = arith.subi %parallel_loop3A_65, %parallel_loop3A_66 : vector<16xi32>
      %parallel_loop3A_68 = tpu.dynamic_gather %parallel_loop3A_46[%parallel_loop3A_67] in [0] : vector<16xf32>, vector<16xi32> -> vector<16xf32>
      %parallel_loop3A_69 = arith.select %lt3A_4, %parallel_loop3A_36, %parallel_loop3A_68 : vector<16xi1>, vector<16xf32>
      %parallel_loop3A_70 = arith.constant 15 : i32
      %parallel_loop3A_71 = vector.broadcast %parallel_loop3A_70 : i32 to vector<16xi32>
      %parallel_loop3A_72 = tpu.iota {dimensions = array<i32: 0>} : vector<16xi32>
      %parallel_loop3A_73 = arith.subi %parallel_loop3A_71, %parallel_loop3A_72 : vector<16xi32>
      %parallel_loop3A_74 = tpu.dynamic_gather %parallel_loop3A_47[%parallel_loop3A_73] in [0] : vector<16xi32>, vector<16xi32> -> vector<16xi32>
      %parallel_loop3A_75 = arith.select %lt3A_4, %parallel_loop3A_37, %parallel_loop3A_74 : vector<16xi1>, vector<16xi32>
      %parallel_loop3A_76 = arith.constant dense<true> : vector<16xi1>
      %parallel_loop3A_77, %parallel_loop3A_78, %parallel_loop3A_79 = tpu.sort %parallel_loop3A_69, %parallel_loop3A_75 masked %parallel_loop3A_76 {descending = true} : (vector<16xf32>, vector<16xi32>, vector<16xi1>) -> (vector<16xi1>, vector<16xf32>, vector<16xi32>)
      %parallel_loop3A_80 = arith.constant 15 : i32
      %parallel_loop3A_81 = vector.broadcast %parallel_loop3A_80 : i32 to vector<16xi32>
      %parallel_loop3A_82 = tpu.iota {dimensions = array<i32: 0>} : vector<16xi32>
      %parallel_loop3A_83 = arith.subi %parallel_loop3A_81, %parallel_loop3A_82 : vector<16xi32>
      %parallel_loop3A_84 = tpu.dynamic_gather %parallel_loop3A_78[%parallel_loop3A_83] in [0] : vector<16xf32>, vector<16xi32> -> vector<16xf32>
      %parallel_loop3A_85 = arith.select %lt3A_4, %parallel_loop3A_62, %parallel_loop3A_84 : vector<16xi1>, vector<16xf32>
      %parallel_loop3A_86 = arith.constant 15 : i32
      %parallel_loop3A_87 = vector.broadcast %parallel_loop3A_86 : i32 to vector<16xi32>
      %parallel_loop3A_88 = tpu.iota {dimensions = array<i32: 0>} : vector<16xi32>
      %parallel_loop3A_89 = arith.subi %parallel_loop3A_87, %parallel_loop3A_88 : vector<16xi32>
      %parallel_loop3A_90 = tpu.dynamic_gather %parallel_loop3A_79[%parallel_loop3A_89] in [0] : vector<16xi32>, vector<16xi32> -> vector<16xi32>
      %parallel_loop3A_91 = arith.select %lt3A_4, %parallel_loop3A_63, %parallel_loop3A_90 : vector<16xi1>, vector<16xi32>
      %parallel_loop3A_92 = arith.constant dense<true> : vector<16xi1>
      %parallel_loop3A_93, %parallel_loop3A_94, %parallel_loop3A_95 = tpu.sort %parallel_loop3A_85, %parallel_loop3A_91 masked %parallel_loop3A_92 {descending = true} : (vector<16xf32>, vector<16xi32>, vector<16xi1>) -> (vector<16xi1>, vector<16xf32>, vector<16xi32>)
      %parallel_loop3A_96 = arith.index_cast %parallel_loop3A_7 : i32 to index
      %parallel_loop3A_97 = arith.constant 0 : index
      %parallel_loop3A_98 = tpu.vector_load %arg5[%parallel_loop3A_96, %parallel_loop3A_97] {strides = array<i32>} : memref<256x16xi32, #tpu.memory_space<vmem>>, vector<16xi32>,
      tpu.vector_store %arg5[%parallel_loop3A_96, %parallel_loop3A_97], %parallel_loop3A_95 {strides = array<i32>} : memref<256x16xi32, #tpu.memory_space<vmem>>, vector<16xi32>,
    } {sc.loop_unroll_factor = 1 : i64, sc.parallel_access}
    "tpu.region"() ({
      %run_scoped3A = tpu.sem_alloc : memref<!tpu.dma_semaphore, #tpu.memory_space<semaphore_mem>>
      %dma_start3A = arith.constant 0 : i32
      %dma_start3A_7 = tpu.memref_slice %arg3[%mul3A_2, %dma_start3A] : memref<8192x16xi32, #tpu.memory_space<hbm>> -> memref<256x16xi32, #tpu.memory_space<hbm>>
      %dma_start3A_8 = arith.constant 0 : i32
      %dma_start3A_9 = tpu.memref_slice %arg3[%mul3A_2, %dma_start3A_8] : memref<8192x16xi32, #tpu.memory_space<hbm>> -> memref<256x16xi32, #tpu.memory_space<hbm>>
      tpu.enqueue_dma source(%arg5 : memref<256x16xi32, #tpu.memory_space<vmem>>) target(%dma_start3A_9 : memref<256x16xi32, #tpu.memory_space<hbm>>) target_semaphore(%run_scoped3A : memref<!tpu.dma_semaphore, #tpu.memory_space<semaphore_mem>>)
      %dma_wait3A = arith.constant 0 : i32
      %dma_wait3A_10 = tpu.memref_slice %arg3[%mul3A_2, %dma_wait3A] : memref<8192x16xi32, #tpu.memory_space<hbm>> -> memref<256x16xi32, #tpu.memory_space<hbm>>
      %dma_wait3A_11 = arith.constant 0 : i32
      %dma_wait3A_12 = tpu.memref_slice %arg3[%mul3A_2, %dma_wait3A_11] : memref<8192x16xi32, #tpu.memory_space<hbm>> -> memref<256x16xi32, #tpu.memory_space<hbm>>
      tpu.wait_dma2 semaphore(%run_scoped3A : memref<!tpu.dma_semaphore, #tpu.memory_space<semaphore_mem>>) src(%arg5 : memref<256x16xi32, #tpu.memory_space<vmem>>) dst(%dma_wait3A_12 : memref<256x16xi32, #tpu.memory_space<hbm>>)
      tpu.yield
    }) : () -> ()
    return
  }
}

module attributes {stable_mosaic.version = 14 : i64} {
  func.func @_mix_kernel(%arg0: i32, %arg1: memref<64x8192xf32, #tpu.memory_space<vmem>>, %arg2: memref<64x4096xf32, #tpu.memory_space<vmem>>, %arg3: memref<8x512xi32, #tpu.memory_space<vmem>>, %arg4: memref<512x4096xf32, #tpu.memory_space<vmem>>, %arg5: memref<1x1xf32, #tpu.memory_space<smem>>) attributes {dimension_semantics = [#tpu.dimension_semantics<arbitrary>], iteration_bounds = array<i64: 16>, scalar_prefetch = 0 : i64, scratch_operands = 1 : i64, tpu.core_type = #tpu.core_type<tc>, window_params = [{pipeline_mode = #tpu.pipeline_mode<synchronous>, transform_indices = @transform_0, window_bounds = array<i64: 64, 8192>}, {pipeline_mode = #tpu.pipeline_mode<synchronous>, transform_indices = @transform_1, window_bounds = array<i64: 64, 4096>}, {transform_indices = @transform_2, window_bounds = array<i64: 8, 512>}, {transform_indices = @transform_3, window_bounds = array<i64: 512, 4096>}]} {
    %eq3A = arith.constant 0 : i32
    %eq3A_0 = arith.cmpi eq, %arg0, %eq3A : i32
    %convert_element_type3A = arith.extui %eq3A_0 : i1 to i32
    %cond3A = arith.constant 0 : i32
    %cond3A_1 = arith.cmpi ne, %convert_element_type3A, %cond3A : i32
    scf.if %cond3A_1 {
      %get3A_61 = arith.constant 0 : index
      %get3A_62 = arith.constant 0 : index
      %get3A_63 = vector.load %arg1[%get3A_61, %get3A_62] : memref<64x8192xf32, #tpu.memory_space<vmem>>, vector<64x8192xf32>
      %abs3A = math.absf %get3A_63 : vector<64x8192xf32>
      %reduce_max3A_64 = vector.shape_cast %abs3A : vector<64x8192xf32> to vector<1x64x8192xf32>
      %reduce_max3A_65 = arith.constant dense<0xFF800000> : vector<1xf32>
      %reduce_max3A_66 = vector.multi_reduction <maximumf>, %reduce_max3A_64, %reduce_max3A_65 [1, 2] : vector<1x64x8192xf32> to vector<1xf32>
      %reduce_max3A_67 = vector.shape_cast %reduce_max3A_66 : vector<1xf32> to vector<1x1x1xf32>
      %reduce_max3A_68 = vector.extract %reduce_max3A_67[0, 0, 0] : f32 from vector<1x1x1xf32>
      %max3A = arith.constant 9.99999997E-7 : f32
      %max3A_69 = arith.maximumf %reduce_max3A_68, %max3A : f32
      %swap3A_70 = arith.constant 0 : index
      %swap3A_71 = arith.constant 0 : index
      %swap3A_72 = memref.load %arg5[%swap3A_70, %swap3A_71] : memref<1x1xf32, #tpu.memory_space<smem>>
      memref.store %max3A_69, %arg5[%swap3A_70, %swap3A_71] : memref<1x1xf32, #tpu.memory_space<smem>>
    } else {
    }
    %get3A = arith.constant 0 : index
    %get3A_2 = arith.constant 0 : index
    %get3A_3 = memref.load %arg5[%get3A, %get3A_2] : memref<1x1xf32, #tpu.memory_space<smem>>
    %div3A = arith.constant 1.000000e+00 : f32
    %div3A_4 = arith.divf %div3A, %get3A_3 : f32
    %mul3A = arith.constant 1.000000e+00 : f32
    %mul3A_5 = arith.mulf %div3A_4, %mul3A : f32
    %mul3A_6 = arith.constant 512 : i32
    %mul3A_7 = arith.muli %arg0, %mul3A_6 : i32
    %get3A_8 = arith.constant 0 : index
    %get3A_9 = arith.index_cast %mul3A_7 : i32 to index
    %get3A_10 = vector.load %arg1[%get3A_8, %get3A_9] : memref<64x8192xf32, #tpu.memory_space<vmem>>, vector<64x512xf32>
    %mul3A_11 = vector.broadcast %mul3A_5 : f32 to vector<64x512xf32>
    %mul3A_12 = arith.mulf %get3A_10, %mul3A_11 : vector<64x512xf32>
    %reduce_max3A = arith.constant dense<0xFF800000> : vector<512xf32>
    %reduce_max3A_13 = vector.multi_reduction <maximumf>, %mul3A_12, %reduce_max3A [0] : vector<64x512xf32> to vector<512xf32>
    %broadcast_in_dim3A = vector.shape_cast %reduce_max3A_13 : vector<512xf32> to vector<1x512xf32>
    %sub3A = vector.broadcast %broadcast_in_dim3A : vector<1x512xf32> to vector<64x512xf32>
    %sub3A_14 = arith.subf %mul3A_12, %sub3A : vector<64x512xf32>
    %exp3A = math.exp %sub3A_14 : vector<64x512xf32>
    %iota3A = tpu.iota {dimensions = array<i32: 0>} : vector<64x512xi32>
    %get3A_15 = arith.constant 0 : index
    %get3A_16 = arith.constant 0 : index
    %get3A_17 = vector.load %arg3[%get3A_15, %get3A_16] : memref<8x512xi32, #tpu.memory_space<vmem>>, vector<8x512xi32>
    %broadcast_in_dim3A_18 = arith.constant false
    %broadcast_in_dim3A_19 = vector.broadcast %broadcast_in_dim3A_18 : i1 to vector<64x512xi1>
    %slice3A = vector.extract_strided_slice %get3A_17 {offsets = [0, 0], sizes = [1, 512], strides = [1, 1]} : vector<8x512xi32> to vector<1x512xi32>
    %eq3A_20 = vector.broadcast %slice3A : vector<1x512xi32> to vector<64x512xi32>
    %eq3A_21 = arith.cmpi eq, %iota3A, %eq3A_20 : vector<64x512xi32>
    %or3A = arith.ori %broadcast_in_dim3A_19, %eq3A_21 : vector<64x512xi1>
    %slice3A_22 = vector.extract_strided_slice %get3A_17 {offsets = [1, 0], sizes = [1, 512], strides = [1, 1]} : vector<8x512xi32> to vector<1x512xi32>
    %eq3A_23 = vector.broadcast %slice3A_22 : vector<1x512xi32> to vector<64x512xi32>
    %eq3A_24 = arith.cmpi eq, %iota3A, %eq3A_23 : vector<64x512xi32>
    %or3A_25 = arith.ori %or3A, %eq3A_24 : vector<64x512xi1>
    %slice3A_26 = vector.extract_strided_slice %get3A_17 {offsets = [2, 0], sizes = [1, 512], strides = [1, 1]} : vector<8x512xi32> to vector<1x512xi32>
    %eq3A_27 = vector.broadcast %slice3A_26 : vector<1x512xi32> to vector<64x512xi32>
    %eq3A_28 = arith.cmpi eq, %iota3A, %eq3A_27 : vector<64x512xi32>
    %or3A_29 = arith.ori %or3A_25, %eq3A_28 : vector<64x512xi1>
    %slice3A_30 = vector.extract_strided_slice %get3A_17 {offsets = [3, 0], sizes = [1, 512], strides = [1, 1]} : vector<8x512xi32> to vector<1x512xi32>
    %eq3A_31 = vector.broadcast %slice3A_30 : vector<1x512xi32> to vector<64x512xi32>
    %eq3A_32 = arith.cmpi eq, %iota3A, %eq3A_31 : vector<64x512xi32>
    %or3A_33 = arith.ori %or3A_29, %eq3A_32 : vector<64x512xi1>
    %slice3A_34 = vector.extract_strided_slice %get3A_17 {offsets = [4, 0], sizes = [1, 512], strides = [1, 1]} : vector<8x512xi32> to vector<1x512xi32>
    %eq3A_35 = vector.broadcast %slice3A_34 : vector<1x512xi32> to vector<64x512xi32>
    %eq3A_36 = arith.cmpi eq, %iota3A, %eq3A_35 : vector<64x512xi32>
    %or3A_37 = arith.ori %or3A_33, %eq3A_36 : vector<64x512xi1>
    %slice3A_38 = vector.extract_strided_slice %get3A_17 {offsets = [5, 0], sizes = [1, 512], strides = [1, 1]} : vector<8x512xi32> to vector<1x512xi32>
    %eq3A_39 = vector.broadcast %slice3A_38 : vector<1x512xi32> to vector<64x512xi32>
    %eq3A_40 = arith.cmpi eq, %iota3A, %eq3A_39 : vector<64x512xi32>
    %or3A_41 = arith.ori %or3A_37, %eq3A_40 : vector<64x512xi1>
    %slice3A_42 = vector.extract_strided_slice %get3A_17 {offsets = [6, 0], sizes = [1, 512], strides = [1, 1]} : vector<8x512xi32> to vector<1x512xi32>
    %eq3A_43 = vector.broadcast %slice3A_42 : vector<1x512xi32> to vector<64x512xi32>
    %eq3A_44 = arith.cmpi eq, %iota3A, %eq3A_43 : vector<64x512xi32>
    %or3A_45 = arith.ori %or3A_41, %eq3A_44 : vector<64x512xi1>
    %slice3A_46 = vector.extract_strided_slice %get3A_17 {offsets = [7, 0], sizes = [1, 512], strides = [1, 1]} : vector<8x512xi32> to vector<1x512xi32>
    %eq3A_47 = vector.broadcast %slice3A_46 : vector<1x512xi32> to vector<64x512xi32>
    %eq3A_48 = arith.cmpi eq, %iota3A, %eq3A_47 : vector<64x512xi32>
    %or3A_49 = arith.ori %or3A_45, %eq3A_48 : vector<64x512xi1>
    %jit3A = arith.constant 0.000000e+00 : f32
    %broadcast_in_dim3A_50 = vector.broadcast %jit3A : f32 to vector<64x512xf32>
    %select_n3A = arith.select %or3A_49, %exp3A, %broadcast_in_dim3A_50 : vector<64x512xi1>, vector<64x512xf32>
    %reduce_sum3A = arith.constant dense<0.000000e+00> : vector<512xf32>
    %reduce_sum3A_51 = vector.multi_reduction <add>, %select_n3A, %reduce_sum3A [0] : vector<64x512xf32> to vector<512xf32>
    %broadcast_in_dim3A_52 = vector.shape_cast %reduce_sum3A_51 : vector<512xf32> to vector<1x512xf32>
    %div3A_53 = vector.broadcast %broadcast_in_dim3A_52 : vector<1x512xf32> to vector<64x512xf32>
    %div3A_54 = arith.divf %select_n3A, %div3A_53 : vector<64x512xf32>
    %get3A_55 = arith.constant 0 : index
    %get3A_56 = arith.constant 0 : index
    %get3A_57 = vector.load %arg2[%get3A_55, %get3A_56] : memref<64x4096xf32, #tpu.memory_space<vmem>>, vector<64x4096xf32>
    %dot_general3A = arith.constant dense<0.000000e+00> : vector<512x4096xf32>
    %dot_general3A_58 = tpu.matmul %div3A_54, %get3A_57, %dot_general3A {dimension_numbers = #tpu.dot_dimension_numbers<[0], [0], [1], [1], [0, 1, 1, 1], [], []>, transpose_lhs_hint = false} : vector<64x512xf32>, vector<64x4096xf32>, vector<512x4096xf32> -> vector<512x4096xf32>
    %swap3A = arith.constant 0 : index
    %swap3A_59 = arith.constant 0 : index
    %swap3A_60 = vector.load %arg4[%swap3A, %swap3A_59] : memref<512x4096xf32, #tpu.memory_space<vmem>>, vector<512x4096xf32>
    tpu.vector_store %arg4[%swap3A, %swap3A_59], %dot_general3A_58 {strides = array<i32>} : memref<512x4096xf32, #tpu.memory_space<vmem>>, vector<512x4096xf32>,
    return
  }
  func.func @transform_0(%arg0: i32) -> (i32, i32) {
    %c0_i32 = arith.constant 0 : i32
    %c0_i32_0 = arith.constant 0 : i32
    %c0_i32_1 = arith.constant 0 : i32
    return %c0_i32, %c0_i32_0 : i32, i32
  }
  func.func @transform_1(%arg0: i32) -> (i32, i32) {
    %c0_i32 = arith.constant 0 : i32
    %c0_i32_0 = arith.constant 0 : i32
    %c0_i32_1 = arith.constant 0 : i32
    return %c0_i32, %c0_i32_0 : i32, i32
  }
  func.func @transform_2(%arg0: i32) -> (i32, i32) {
    %c0_i32 = arith.constant 0 : i32
    %c0_i32_0 = arith.constant 0 : i32
    return %c0_i32, %arg0 : i32, i32
  }
  func.func @transform_3(%arg0: i32) -> (i32, i32) {
    %c0_i32 = arith.constant 0 : i32
    %c0_i32_0 = arith.constant 0 : i32
    return %arg0, %c0_i32 : i32, i32
  }
}

</mosaic_0001>

<sc_bundles>
// kernel: kernel.4.cloned.1.call-start
scs
__scs_entry_jumppad:
0x0: {  	(pc) =	sbr.rel $0x88, $3  }
0x1: {  	(tag) =	ssettag $0x0;
	lr =	simm.s32 $0x1  }
0x2: {  	[smem:$0x3F9F] =	sst lr;
	_ =	strace $0xD0000000  }
0x3: {  	_ = 	snop  }
0x4: {  	_ = 	snop  }
0x5: {  	_ = 	snop  }
0x6: {  	_ = 	snop  }
0x7: {  	_ = 	snop  }
__scs_overlays_trampoline_lowered:
0x8: {  	[smem:$0x3FAE] =	sst s0  }
0x9: {  	[smem:$0x3FAF] =	sst s1  }
0xa: {  	[smem:$0x3FB0] =	sst s2  }
0xb: {  	[smem:$0x3FB1] =	sst s3  }
0xc: {  	[smem:$0x3FB2] =	sst s4  }
0xd: {  	[smem:$0x3FB3] =	sst s5  }
0xe: {  	[smem:$0x3FB4] =	sst s6  }
0xf: {  	[smem:$0x3FB5] =	sst s7  }
0x10: {  	[smem:$0x3FB6] =	sst s8  }
0x11: {  	[smem:$0x3FB7] =	sst s9;
	s0 =	simm.s32 @!p0 $0x0  }
0x12: {  	s1 =	sld [smem:$0x3F9D];
	s0 =	simm.s32 @p0 $0x1  }
0x13: {  	[smem:$0x3FB8] =	sst s0;
	s0 =	simm.s32 @!p1 $0x0  }
0x14: {  	s2 =	sld [smem:$0x3F9C];
	s0 =	simm.s32 @p1 $0x1  }
0x15: {  	[smem:$0x3FB9] =	sst s0;
	s0 =	simm.s32 @!p2 $0x0  }
0x16: {  	s3 =	sld [smem:$0x3FDB];
	s0 =	simm.s32 @p2 $0x1  }
0x17: {  	s4 =	simm.s32 $0x1BF5;
	[smem:$0x3FBB] =	sst s0  }
0x18: {  	s0 =	sld [smem:$0x3F9E];
	_ =	swait.ge [sflag:s4], $0x0  }
0x19: {  	s7 =	sld [smem:$0x3F9F]  }
0x1a: {  	s8 =	sadd.s32 $0xFFFFE003, lr  }
0x1b: {  	s9 =	sadd.s32 $0xFFFFFEF7, lr;
	s5 =	simm.s32 $0xFFFFFFFF;
	p2 =	slt.u32 s8, $0xFFFFF086  }
0x1c: {  	p1 =	slt.u32 s9, $0xF7A;
	s5 =	simm.s32 @!p2 $0x0  }
0x1d: {  	s5 =	simm.s32 @p1 $0x1;
	p0 =	seq.s32 s7, s2  }
0x1e: {  	s7 =	smul.u32 @!p0 $0xF7A, s2;
	p2 =	seq.s32 @!p0 s5, $0x0  }
0x1f: {  	s9 =	smul.u32 $0xF7A, s1;
	s8 =	simm.s32 @!p0 $0x1BF5;
	p2 =	por !p2, p0  }
0x20: {  	[sflag:s8] =	ssyncset.s32 @!p0 $0xFFFFF086;
	s6 =	sadd.s32 @!p0 s3, s7;
	s7 =	simm.s32 @!p0 $0x108  }
0x21: {  	s3 =	sadd.s32 s3, s9;
	s6 =	sadd.s32 @!p0 $0x88, s6;
	s7 =	simm.s32 @p2 $0x1082  }
0x22: {  	[simem:s7], [sflag:s8] =	dma.local @!p0 [hbm:s6], $0xF7A  }
0x23: {  	s9 =	sor.u32 $0xD0000000, s2;
	s6 =	simm.s32 $0x108;
	_ =	swait.ge @!p0 [sflag:s8], $0x0  }
0x24: {  	s3 =	sadd.s32 $0x88, s3;
	s6 =	simm.s32 @!p1 $0x1082;
	[sflag:s4] =	ssyncset.s32 $0xFFFFF086  }
0x25: {  	[simem:s6], [sflag:s4] =	dma.local [hbm:s3], $0xF7A  }
0x26: {  	[smem:$0x3F9F] =	sst s1;
	(tag) =	ssettag s2;
	_ =	strace s9  }
0x27: {  	s1 =	sld [smem:$0x3FAF]  }
0x28: {  	s2 =	sld [smem:$0x3FB0]  }
0x29: {  	s4 =	sld [smem:$0x3FB2]  }
0x2a: {  	p0 =	seq.s32 s5, $0x0;
	s5 =	sld [smem:$0x3FB3]  }
0x2b: {  	s6 =	sld [smem:$0x3FB4]  }
0x2c: {  	s7 =	sld [smem:$0x3FB5]  }
0x2d: {  	s3 =	simm.s32 $0x108;
	s8 =	sld [smem:$0x3FB6]  }
0x2e: {  	s3 =	simm.s32 @!p0 $0x1082;
	s9 =	sld [smem:$0x3FB7]  }
0x2f: {  	lr =	sadd.s32 s0, s3;
	s0 =	sld [smem:$0x3FAE]  }
0x30: {  	s3 =	sld [smem:$0x3FB1]  }
0x31: {  	[smem:$0x3FBA] =	sst s10  }
0x32: {  	s10 =	sld [smem:$0x3FB8];
	_ =	sdelay $0x3  }
0x33: {  	p0 =	seq.s32 s10, $0x1;
	s10 =	sld [smem:$0x3FBA];
	_ =	sdelay $0x3  }
0x34: {  	[smem:$0x3FBA] =	sst s10  }
0x35: {  	s10 =	sld [smem:$0x3FB9];
	_ =	sdelay $0x3  }
0x36: {  	p1 =	seq.s32 s10, $0x1;
	s10 =	sld [smem:$0x3FBA];
	_ =	sdelay $0x3  }
0x37: {  	[smem:$0x3FBA] =	sst s10  }
0x38: {  	s10 =	sld [smem:$0x3FBB]  }
0x39: {  	_ = 	snop;
	(pc) =	sbr.ind lr, $3  }
0x3a: {  	_ = 	snop  }
0x3b: {  	_ = 	snop  }
0x3c: {  	p2 =	seq.s32 s10, $0x1;
	s10 =	sld [smem:$0x3FBA]  }
0x3d: {  	_ =	shalt  }
0x3e: {  	_ =	shalt  }
0x3f: {  	_ =	shalt  }
0x40: {  	_ =	shalt  }
0x41: {  	_ =	shalt  }
0x42: {  	_ =	shalt  }
0x43: {  	_ =	shalt  }
0x44: {  	_ =	shalt  }
0x45: {  	_ =	shalt  }
0x46: {  	_ =	shalt  }
0x47: {  	_ =	shalt  }
0x48: {  	_ =	shalt  }
0x49: {  	_ =	shalt  }
0x4a: {  	_ =	shalt  }
0x4b: {  	_ =	shalt  }
0x4c: {  	_ =	shalt  }
0x4d: {  	_ =	shalt  }
0x4e: {  	_ =	shalt  }
0x4f: {  	_ =	shalt  }
0x50: {  	_ =	shalt  }
0x51: {  	_ =	shalt  }
0x52: {  	_ =	shalt  }
0x53: {  	_ =	shalt  }
0x54: {  	_ =	shalt  }
0x55: {  	_ =	shalt  }
0x56: {  	_ =	shalt  }
0x57: {  	_ =	shalt  }
0x58: {  	_ =	shalt  }
0x59: {  	_ =	shalt  }
0x5a: {  	_ =	shalt  }
0x5b: {  	_ =	shalt  }
0x5c: {  	_ =	shalt  }
0x5d: {  	_ =	shalt  }
0x5e: {  	_ =	shalt  }
0x5f: {  	_ =	shalt  }
0x60: {  	_ =	shalt  }
0x61: {  	_ =	shalt  }
0x62: {  	_ =	shalt  }
0x63: {  	_ =	shalt  }
0x64: {  	_ =	shalt  }
0x65: {  	_ =	shalt  }
0x66: {  	_ =	shalt  }
0x67: {  	_ =	shalt  }
0x68: {  	_ =	shalt  }
0x69: {  	_ =	shalt  }
0x6a: {  	_ =	shalt  }
0x6b: {  	_ =	shalt  }
0x6c: {  	_ =	shalt  }
0x6d: {  	_ =	shalt  }
0x6e: {  	_ =	shalt  }
0x6f: {  	_ =	shalt  }
0x70: {  	_ =	shalt  }
0x71: {  	_ =	shalt  }
0x72: {  	_ =	shalt  }
0x73: {  	_ =	shalt  }
0x74: {  	_ =	shalt  }
0x75: {  	_ =	shalt  }
0x76: {  	_ =	shalt  }
0x77: {  	_ =	shalt  }
0x78: {  	_ =	shalt  }
0x79: {  	_ =	shalt  }
0x7a: {  	_ =	shalt  }
0x7b: {  	_ =	shalt  }
0x7c: {  	_ =	shalt  }
0x7d: {  	_ =	shalt  }
0x7e: {  	_ =	shalt  }
0x7f: {  	_ =	shalt  }
0x80: {  	_ =	shalt  }
0x81: {  	_ =	shalt  }
0x82: {  	_ =	shalt  }
0x83: {  	_ =	shalt  }
0x84: {  	_ =	shalt  }
0x85: {  	_ =	shalt  }
0x86: {  	_ =	shalt  }
0x87: {  	_ =	shalt  }
.Lfunc_end0:
.L_simem_size_0:
called_computation_lowered:
.L_overlay_start_0:
0x88: {  	s2 =	sld [smem:$0x3FD9]  }
0x89: {  	s3 =	sld [smem:$0x3FFE];
	_ =	sdelay $0x1  }
0x8a: {  	s1 =	srdreg.scid  }
0x8b: {  	s0 =	sand.u32 $0x1, s1  }
0x8c: {  	s14 =	sshll.u32 s0, $0xA;
	s2 =	sadd.s32 s3, s2  }
0x8d: {  	s2 =	sadd.s32 s2, s14  }
0x8e: {  	[smem:$0x3FC6] =	sst s2  }
0x8f: {  	_ = 	snop  }
0x90: {  	s2 =	sld [smem:$0x3FD0];
	_ =	sdelay $0x2  }
0x91: {  	s15 =	simm.s32 $0xA;
	s4 =	simm.s32 $0x10  }
0x92: {  	[smem:s4], [sflag:s15] =	dma.local [hbm:s2], $0x1  }
0x93: {  	_ =	swait.eq [sflag:s15], $0x1  }
0x94: {  	[sflag:s15] =	ssyncset.done $0x0  }
0x95: {  	[sflag:s15] =	ssyncadd.s32 $0xFFFFFFFF  }
0x96: {  	s16 =	sld [smem:$0x10];
	(tm) =	ssettm $0x1  }
0x97: {  	s17 =	sld [smem:$0x3FFB];
	_ =	sdelay $0x3  }
0x98: {  	_ =	strace s17  }
0x99: {  	s3 =	sld [smem:$0x3FFC];
	_ =	sdelay $0x3  }
0x9a: {  	_ =	strace s3  }
0x9b: {  	s3 =	sld [smem:$0x3FFD];
	_ =	sdelay $0x3  }
0x9c: {  	_ =	strace s3  }
0x9d: {  	_ =	strace $0x8FFFFFFF  }
0x9e: {  	s18 =	sld [smem:$0x3FDB];
	_ =	sdelay $0x1  }
0x9f: {  	s19 =	simm.s32 $_scs_section_size  }
0xa0: {  	s5 =	simm.s32 $_size__tile_overlayer_lowered;
	s6 =	simm.s32 $_tile_overlayer_lowered  }
0xa1: {  	s22 =	simm.s32 $0x1BFF;
	s21 =	sshll.u32 s6, $0x1;
	s3 =	sadd.s32 s19, s18  }
0xa2: {  	s7 =	simm.s32 $0x0;
	s20 =	sshll.u32 s5, $0x1;
	s5 =	sadd.s32 s21, s3  }
0xa3: {  	[timem:s7], [sflag:s22] =	dma.local [hbm:s5], s20  }
0xa4: {  	_ =	swait.ge [sflag:s22], s20  }
0xa5: {  	s4 =	ssub.s32 $0x0, s20;
	[sflag:s22] =	ssyncset.done $0x0  }
0xa6: {  	[sflag:s22] =	ssyncadd.s32 s4;
	_ =	sdelay $0x1  }
0xa7: {  	s23 =	simm.s32 $0x1B8B  }
0xa8: {  	_ =	swait.ge [sflag:s23], $0x1  }
0xa9: {  	[sflag:s23] =	ssyncset.done $0x0  }
0xaa: {  	s25 =	simm.s32 $0x1B8E;
	s24 =	sld [smem:$0x3FFE];
	[sflag:s23] =	ssyncadd.s32 $0xFFFFFFFF  }
0xab: {  	s26 =	simm.s32 $execute0_lowered;
	[smem:$0x3FD2] =	sst s25  }
0xac: {  	s5 =	sshll.u32 s26, $0x1;
	_ =	strace $0x80000046;
	[dreg:$0x1] =	wrdreg $0xFFFFFFFF  }
0xad: {  	s28 =	simm.s32 $_size_execute0_lowered;
	s3 =	sadd.s32 s3, s5;
	[dreg:$0x0] =	wrdreg $0x0  }
0xae: {  	s5 =	sshll.u32 s28, $0x1;
	[dreg:$0x2] =	wrdreg s3  }
0xaf: {  	[dreg:$0x3] =	wrdreg s5  }
0xb0: {  	[dreg:$0x4] =	wrdreg $0xC0  }
0xb1: {  	_ =	task [dreg:s7], $0x5FFFF  }
0xb2: {  	[dreg:$0x1] =	wrdreg $0xFFFFFFFF  }
0xb3: {  	[dreg:$0x0] =	wrdreg $0x60  }
0xb4: {  	[dreg:$0x2] =	wrdreg s16  }
0xb5: {  	[dreg:$0x3] =	wrdreg s24  }
0xb6: {  	[dreg:$0x4] =	wrdreg $0x9  }
0xb7: {  	_ =	task.clear_ibuf [dreg:s7], $0x5FFFF;
	_ =	strace $0x90000046  }
0xb8: {  	s29 =	simm.s32 $0x9;
	_ =	strace $0x80000048  }
0xb9: {  	_ =	swait.ge [sflag:s29], $0x1  }
0xba: {  	[sflag:s29] =	ssyncadd.s32 $0xFFFFFFFF  }
0xbb: {  	_ =	strace $0x90000048  }
0xbc: {  	_ =	sfence  }
0xbd: {  	s30 =	sld [smem:$0x0];
	_ =	sdelay $0x2  }
0xbe: {  	s31 =	sshll.u32 s1, $0xD;
	s1 =	sshrl.u32 s1, $0x2  }
0xbf: {  	s3 =	sand.u32 $0x4000, s31;
	s1 =	sadd.s32 s1, s30  }
0xc0: {  	s0 =	sor.u32 s3, s0;
	s1 =	sshll.u32 s1, $0x11  }
0xc1: {  	s0 =	sor.u32 s1, s0  }
0xc2: {  	s0 =	sadd.s32 $0x8F2B, s0  }
0xc3: {  	[sflag:s0] =	ssyncadd.remote.s32 $0x1  }
0xc4: {  	_ =	sfence.sel $0xFFFF  }
0xc5: {  	[dreg:$0x0] =	wrdreg $0xFFFFFFFF;
	(pc) =	sbr.abs _section_cstart, $3  }
0xc6: {  	[dreg:$0x1] =	wrdreg $0xFFFFFFFF  }
0xc7: {  	_ =	task.clear_ibuf [dreg:s7], $0x2FFFF;
	_ =	strace $0x9FFFFFFF  }
0xc8: {  	(tm) =	ssettm $0x7FFFFFFF  }
0xc9: {  	_ =	shalt  }
tec
execute0_lowered:
.L_overlay_start_1:
0x0: {  	(tag) =	ssettag $0x1  }
0x1: {  	s3 =	rddreg [dreg:$0x0]  }
0x2: {  	s4 =	rddreg [dreg:$0x1]  }
0x3: {  	s0 =	rddreg [dreg:$0x2];
	s5 =	srdreg.scid  }
0x4: {  	s2 =	simm.s32 $0x0;
	s1 =	stileid.u32;
	s8 =	simm.s32 $0x0  }
0x5: {  	s5 =	sand.u32 $0x1, s5;
	s6 =	sshll.u32 s1, $0xD;
	[smem:$0x7FF] =	sst s2  }
0x6: {  	v0 =	vlaneseq.u32;
	s7 =	sshll.u32 s5, $0xC;
	s5 =	ssub.s32 $0x2, s5;
	_ =	strace $0x80000047  }
0x7: {  	v4 =	vmul.u32 $0xFFFFFFFF, v0;
	s6 =	sor.u32 s7, s6;
	s31 =	sshrl.u32 s5, $0x1;
	s7 =	simm.s32 $0x8000  }
0x8: {  	vm0 =	vmmov $0xff;
	v1 =	vor.u32 $0x10, v0;
	s4 =	sadd.s32 s6, s4;
	s5 =	ssub.s32 s5, s31;
	s3 =	sadd.s32 s3, s6  }
0x9: {  	v2 =	vor.u32 $0x20, v0;
	v3 =	vor.u32 $0x30, v0;
	v4 =	vadd.s32 $0xF, v4;
	s6 =	simm.s32 $0x1;
	s4 =	sadd.s32 $0xA00, s4;
	s5 =	smax.u32 s5, $0x1  }
.LBB2_1:
0xa: {  	[tilespmem:s2], [sflag:$0x1] =	stream.linear.gather [hbm4b:s3+s2], $0x8000, $0x38;
	[tilespmem:$0x10000] =	vst v63  }
0xb: {  	_ =	swait.ge [sflag:s6], $0x8000  }
0xc: {  	[sflag:s6] =	ssyncset.done $0x0  }
0xd: {  	s9 =	simm.s32 $0x0;
	[sflag:s6] =	ssyncadd.s32 $0xFFFF8000  }
0xe: {  	v5 =	vld [tilespmem:s9+$0x30];
	_ =	sdelay $0x1  }
0xf: {  	v6 =	vld [tilespmem:s9+$0x20];
	_ =	sdelay $0x2  }
0x10: {  	(xrf1) =	vsort.dscd.msk.f32 $0xffff, v5, v3  }
0x11: {  	v7 =	vld [tilespmem:s9+$0x10]  }
0x12: {  	s10 =	simm.s32 $0x80;
	v5 =	vld [tilespmem:s9+$0x0];
	(xrf1) =	vsort.dscd.msk.f32 $0xffff, v6, v2  }
0x13: {  	v6 =	vld [tilespmem:s10+$0x30];
	_ =	sdelay $0x2  }
0x14: {  	v8 =	vld [tilespmem:s10+$0x20];
	(xrf1) =	vsort.dscd.msk.f32 $0xffff, v7, v1  }
0x15: {  	(xrf1) =	vsort.dscd.msk.f32 $0xffff, v5, v0;
	v5 =	vld [tilespmem:s10+$0x10]  }
0x16: {  	s11 =	simm.s32 $0x100;
	(xrf1) =	vsort.dscd.msk.f32 $0xffff, v6, v3;
	v6 =	vld [tilespmem:s10+$0x0]  }
0x17: {  	v7 =	vld [tilespmem:s11+$0x30];
	_ =	sdelay $0x1  }
0x18: {  	(xrf1) =	vsort.dscd.msk.f32 $0xffff, v8, v2;
	v8 =	vld [tilespmem:s11+$0x20]  }
0x19: {  	(xrf1) =	vsort.dscd.msk.f32 $0xffff, v5, v1  }
0x1a: {  	(xrf1) =	vsort.dscd.msk.f32 $0xffff, v6, v0  }
0x1b: {  	(xrf1) =	vsort.dscd.msk.f32 $0xffff, v7, v3;
	v7, v9, _ =	vpop (xrf1)  }
0x1c: {  	v5 =	vld [tilespmem:s11+$0x10];
	v7 =	vperm.xlane v7, v4;
	v9 =	vperm.xlane v9, v4  }
0x1d: {  	(xrf1) =	vsort.dscd.msk.f32 $0xffff, v8, v2;
	v8, v10, _ =	vpop (xrf1)  }
0x1e: {  	v7 =	vsel vm0, v8, v7;
	v8 =	vsel vm0, v10, v9  }
0x1f: {  	s12 =	simm.s32 $0x180;
	v6 =	vld [tilespmem:s11+$0x0]  }
0x20: {  	v11 =	vld [tilespmem:s12+$0x30]  }
0x21: {  	(xrf1) =	vsort.dscd.msk.f32 $0xffff, v5, v1;
	v5 =	vld [tilespmem:s12+$0x20]  }
0x22: {  	(xrf1) =	vsort.dscd.msk.f32 $0xffff, v7, v8;
	v7, v8, _ =	vpop (xrf1)  }
0x23: {  	v7 =	vperm.xlane v7, v4  }
0x24: {  	(xrf1) =	vsort.dscd.msk.f32 $0xffff, v6, v0;
	v6, v10, _ =	vpop (xrf1)  }
0x25: {  	v9 =	vld [tilespmem:s12+$0x10];
	(xrf1) =	vsort.dscd.msk.f32 $0xffff, v11, v3;
	v11, v13, _ =	vpop (xrf1)  }
0x26: {  	(xrf1) =	vsort.dscd.msk.f32 $0xffff, v5, v2;
	v5 =	vperm.xlane v11, v4;
	v11 =	vperm.xlane v13, v4  }
0x27: {  	v6 =	vsel vm0, v6, v7;
	v7, v13, _ =	vpop (xrf1)  }
0x28: {  	s13 =	simm.s32 $0x200;
	v12 =	vld [tilespmem:s12+$0x0];
	v8 =	vperm.xlane v8, v4;
	v5 =	vsel vm0, v7, v5;
	v7 =	vsel vm0, v13, v11  }
0x29: {  	v14 =	vld [tilespmem:s13+$0x30]  }
0x2a: {  	v8 =	vsel vm0, v10, v8;
	(xrf1) =	vsort.dscd.msk.f32 $0xffff, v9, v1;
	v9 =	vld [tilespmem:s13+$0x20]  }
0x2b: {  	(xrf1) =	vsort.dscd.msk.f32 $0xffff, v6, v8  }
0x2c: {  	(xrf1) =	vsort.dscd.msk.f32 $0xffff, v5, v7;
	v5, v7, _ =	vpop (xrf1)  }
0x2d: {  	(xrf1) =	vsort.dscd.msk.f32 $0xffff, v12, v0;
	v8, v10, _ =	vpop (xrf1)  }
0x2e: {  	v6 =	vld [tilespmem:s13+$0x10];
	v5 =	vperm.xlane v5, v4;
	(xrf1) =	vsort.dscd.msk.f32 $0xffff, v14, v3;
	v12, v13, _ =	vpop (xrf1)  }
0x2f: {  	(xrf1) =	vsort.dscd.msk.f32 $0xffff, v9, v2;
	v9 =	vperm.xlane v12, v4  }
0x30: {  	v7 =	vperm.xlane v7, v4;
	v12 =	vperm.xlane v13, v4;
	v5 =	vsel vm0, v8, v5;
	v8, v13, _ =	vpop (xrf1)  }
0x31: {  	s14 =	simm.s32 $0x280;
	v11 =	vld [tilespmem:s13+$0x0];
	v8 =	vsel vm0, v8, v9  }
0x32: {  	v14 =	vld [tilespmem:s14+$0x30]  }
0x33: {  	(xrf1) =	vsort.dscd.msk.f32 $0xffff, v6, v1;
	v6 =	vsel vm0, v10, v7;
	v9 =	vsel vm0, v13, v12  }
0x34: {  	v15 =	vld [tilespmem:s14+$0x20];
	(xrf1) =	vsort.dscd.msk.f32 $0xffff, v5, v6;
	v7, v10, _ =	vpop (xrf1)  }
0x35: {  	v5 =	vld [tilespmem:s14+$0x10];
	v6 =	vperm.xlane v7, v4;
	(xrf1) =	vsort.dscd.msk.f32 $0xffff, v8, v9;
	v7, v8, _ =	vpop (xrf1)  }
0x36: {  	v10 =	vperm.xlane v10, v4;
	(xrf1) =	vsort.dscd.msk.f32 $0xffff, v11, v0;
	v9, v11, _ =	vpop (xrf1)  }
0x37: {  	(xrf1) =	vsort.dscd.msk.f32 $0xffff, v14, v3;
	v12, v13, _ =	vpop (xrf1)  }
0x38: {  	v6 =	vsel vm0, v9, v6;
	v9 =	vld [tilespmem:s14+$0x0];
	v10 =	vsel vm0, v11, v10;
	v13 =	vperm.xlane v13, v4  }
0x39: {  	s15 =	simm.s32 $0x300;
	(xrf1) =	vsort.dscd.msk.f32 $0xffff, v15, v2;
	v12 =	vperm.xlane v12, v4;
	v14, v15, _ =	vpop (xrf1)  }
0x3a: {  	v16 =	vld [tilespmem:s15+$0x30];
	v8 =	vperm.xlane v8, v4;
	(xrf1) =	vsort.dscd.msk.f32 $0xffff, v5, v1;
	v13 =	vsel vm0, v15, v13  }
0x3b: {  	v7 =	vperm.xlane v7, v4;
	v5, v17, _ =	vpop (xrf1);
	(xrf1) =	vsort.dscd.msk.f32 $0xffff, v6, v10;
	v12 =	vsel vm0, v14, v12  }
0x3c: {  	v11 =	vld [tilespmem:s15+$0x20];
	v6, v10, _ =	vpop (xrf1);
	(xrf1) =	vsort.dscd.msk.f32 $0xffff, v12, v13  }
0x3d: {  	v14 =	vld [tilespmem:s15+$0x10];
	(xrf1) =	vsort.dscd.msk.f32 $0xffff, v9, v0;
	v6 =	vsel vm0, v6, v7;
	v7 =	vsel vm0, v10, v8  }
0x3e: {  	v5 =	vperm.xlane v5, v4;
	(xrf1) =	vsort.dscd.msk.f32 $0xffff, v6, v7;
	v12, v13, _ =	vpop (xrf1)  }
0x3f: {  	v9, v15, _ =	vpop (xrf1);
	(xrf1) =	vsort.dscd.msk.f32 $0xffff, v16, v3  }
0x40: {  	v6 =	vld [tilespmem:s15+$0x0];
	v10 =	vperm.xlane v13, v4;
	v5 =	vsel vm0, v9, v5;
	v7, v8, _ =	vpop (xrf1);
	v9 =	vperm.xlane v17, v4  }
0x41: {  	s16 =	simm.s32 $0x380;
	(xrf1) =	vsort.dscd.msk.f32 $0xffff, v11, v2;
	v7 =	vperm.xlane v7, v4;
	v8 =	vperm.xlane v8, v4  }
0x42: {  	v62 =	vld [tilespmem:s16+$0x30];
	v12 =	vperm.xlane v12, v4;
	v11, v13, _ =	vpop (xrf1);
	(xrf1) =	vsort.dscd.msk.f32 $0xffff, v14, v1;
	v9 =	vsel vm0, v15, v9  }
0x43: {  	v14, v63, _ =	vpop (xrf1);
	v7 =	vsel vm0, v11, v7;
	v8 =	vsel vm0, v13, v8;
	(xrf1) =	vsort.dscd.msk.f32 $0xffff, v5, v9  }
0x44: {  	v13, v15, _ =	vpop (xrf1);
	(xrf1) =	vsort.dscd.msk.f32 $0xffff, v7, v8  }
0x45: {  	v7 =	vsel vm0, v13, v12;
	v12 =	vsel vm0, v15, v10;
	(xrf1) =	vsort.dscd.msk.f32 $0xffff, v6, v0  }
0x46: {  	(xrf1) =	vsort.dscd.msk.f32 $0xffff, v7, v12  }
0x47: {  	v5, v18, _ =	vpop (xrf1);
	(xrf1) =	vsort.dscd.msk.f32 $0xffff, v62, v3;
	_ =	sdelay $0x2  }
0x48: {  	v14 =	vperm.xlane v14, v4;
	v9 =	vld [tilespmem:s16+$0x20]  }
0x49: {  	v10 =	vld [tilespmem:s16+$0x10];
	_ =	sdelay $0x1  }
0x4a: {  	v6, v11, _ =	vpop (xrf1)  }
0x4b: {  	s17 =	simm.s32 $0x1000;
	v8 =	vsel vm0, v6, v14;
	v7 =	vld [tilespmem:s16+$0x0];
	v12 =	vperm.xlane v63, v4;
	v6 =	vperm.xlane v18, v4;
	v14, v13, _ =	vpop (xrf1)  }
.LBB2_2:
0x4c: {  	s18 =	sshra.s32 s17, $0x2;
	p0 =	sne.s32 s17, $0x1FE00;
	s17 =	sadd.s32 $0x200, s17;
	(xrf1) =	vsort.dscd.msk.f32 $0xffff, v9, v2;
	v14 =	vperm.xlane v14, v4;
	v20 =	vperm.xlane v13, v4;
	v15, v16, _ =	vpop (xrf1)  }
0x4d: {  	s19 =	smov.u32 s12;
	s12 =	smov.u32 s13;
	s13 =	smov.u32 s14;
	v17 =	vld [tilespmem:s18+$0x30];
	(xrf1) =	vsort.dscd.msk.f32 $0xffff, v10, v1;
	v18, v19, _ =	vpop (xrf1);
	v10 =	vsel vm0, v11, v12;
	v12 =	vperm.xlane v5, v4  }
.Ltmp0:
0x4e: {  	s14 =	smov.u32 s15;
	s15 =	smov.u32 s16;
	v9 =	vld [tilespmem:s18+$0x20];
	v21 =	vsel vm0, v15, v14;
	v14 =	vsel vm0, v16, v20;
	(xrf1) =	vsort.dscd.msk.f32 $0xffff, v8, v10;
	v8, v13, _ =	vpop (xrf1);
	(pc) =	sbr.rel @p0 .LBB2_2-.Ltmp0, $4  }
0x4f: {  	s16 =	smov.u32 s18;
	v18 =	vperm.xlane v18, v4;
	v10 =	vld [tilespmem:s18+$0x10];
	(xrf1) =	vsort.dscd.msk.f32 $0xffff, v21, v14;
	v5, v15, _ =	vpop (xrf1)  }
0x50: {  	v12 =	vsel vm0, v8, v12;
	v6 =	vsel vm0, v13, v6;
	(xrf1) =	vsort.dscd.msk.f32 $0xffff, v7, v0;
	v7, v11, _ =	vpop (xrf1)  }
0x51: {  	v8 =	vsel vm0, v7, v18;
	(xrf1) =	vsort.dscd.msk.f32 $0xffff, v12, v6;
	_, v16, _ =	vpop (xrf1)  }
0x52: {  	v12 =	vperm.xlane v19, v4;
	v6 =	vperm.xlane v15, v4;
	v7 =	vld [tilespmem:s16+$0x0];
	(xrf1) =	vsort.dscd.msk.f32 $0xffff, v17, v3;
	v14, v13, _ =	vpop (xrf1);
	[tilespmem:s9+$0x8000] =	vst v16;
	s9 =	smov.u32 s10;
	s10 =	smov.u32 s11;
	s11 =	smov.u32 s19  }
0x53: {  	_ = 	snop  }
0x54: {  	v28 =	vperm.xlane v14, v4;
	v11 =	vsel vm0, v11, v12  }
0x55: {  	v29, v15, _ =	vpop (xrf1)  }
0x56: {  	(xrf1) =	vsort.dscd.msk.f32 $0xffff, v9, v2;
	v13 =	vperm.xlane v13, v4;
	v9 =	vsel vm0, v29, v28  }
0x57: {  	(xrf1) =	vsort.dscd.msk.f32 $0xffff, v10, v1;
	v30, v16, _ =	vpop (xrf1)  }
0x58: {  	v31 =	vsel vm0, v15, v13;
	(xrf1) =	vsort.dscd.msk.f32 $0xffff, v8, v11;
	v8, v11, _ =	vpop (xrf1)  }
0x59: {  	(xrf1) =	vsort.dscd.msk.f32 $0xffff, v9, v31;
	v9, v12, _ =	vpop (xrf1)  }
0x5a: {  	v5 =	vperm.xlane v5, v4;
	(xrf1) =	vsort.dscd.msk.f32 $0xffff, v7, v0;
	v7, v32, _ =	vpop (xrf1)  }
0x5b: {  	v35 =	vperm.xlane v16, v4;
	v6 =	vsel vm0, v11, v6;
	_, v33, _ =	vpop (xrf1)  }
0x5c: {  	v10 =	vperm.xlane v30, v4;
	v5 =	vsel vm0, v8, v5;
	v34, v17, _ =	vpop (xrf1)  }
0x5d: {  	v8 =	vsel vm0, v32, v35;
	v36, v18, _ =	vpop (xrf1)  }
0x5e: {  	v7 =	vsel vm0, v7, v10;
	v39, v19, _ =	vpop (xrf1)  }
0x5f: {  	(xrf1) =	vsort.dscd.msk.f32 $0xffff, v5, v6;
	v5, v6, _ =	vpop (xrf1)  }
0x60: {  	v42, v43, _ =	vpop (xrf1)  }
0x61: {  	(xrf1) =	vsort.dscd.msk.f32 $0xffff, v7, v8;
	v37 =	vperm.xlane v34, v4;
	v38 =	vperm.xlane v17, v4;
	v7, v8, _ =	vpop (xrf1)  }
0x62: {  	v12 =	vperm.xlane v12, v4;
	v9 =	vperm.xlane v9, v4;
	_, v45, _ =	vpop (xrf1)  }
0x63: {  	v40 =	vsel vm0, v36, v37;
	v41 =	vsel vm0, v18, v38;
	v48 =	vperm.xlane v19, v4;
	v47, v46, _ =	vpop (xrf1)  }
0x64: {  	v44 =	vperm.xlane v39, v4;
	v6 =	vsel vm0, v6, v12;
	v11 =	vperm.xlane v46, v4  }
0x65: {  	v5 =	vsel vm0, v5, v9;
	v8 =	vsel vm0, v8, v48;
	v9 =	vperm.xlane v47, v4;
	v49, v17, _ =	vpop (xrf1)  }
0x66: {  	(xrf1) =	vsort.dscd.msk.f32 $0xffff, v40, v41;
	v7 =	vsel vm0, v7, v44;
	v11 =	vsel vm0, v17, v11  }
0x67: {  	(xrf1) =	vsort.dscd.msk.f32 $0xffff, v5, v6;
	v6, v50, _ =	vpop (xrf1);
	v9 =	vsel vm0, v49, v9  }
0x68: {  	v5 =	vperm.xlane v43, v4;
	v51 =	vperm.xlane v42, v4;
	v52, v53, _ =	vpop (xrf1)  }
0x69: {  	(xrf1) =	vsort.dscd.msk.f32 $0xffff, v7, v8;
	v6 =	vperm.xlane v6, v4;
	v15 =	vperm.xlane v50, v4;
	v7, v8, _ =	vpop (xrf1)  }
0x6a: {  	(xrf1) =	vsort.dscd.msk.f32 $0xffff, v9, v11;
	v12 =	vsel vm0, v52, v51;
	v5 =	vsel vm0, v53, v5;
	v9, v11, _ =	vpop (xrf1)  }
0x6b: {  	(xrf1) =	vsort.dscd.msk.f32 $0xffff, v12, v5;
	v6 =	vsel vm0, v9, v6;
	v5 =	vsel vm0, v11, v15  }
0x6c: {  	(xrf1) =	vsort.dscd.msk.f32 $0xffff, v6, v5;
	_ =	sdelay $0x6  }
0x6d: {  	_, v5, _ =	vpop (xrf1)  }
0x6e: {  	v6, v9, _ =	vpop (xrf1)  }
0x6f: {  	v55, v54, _ =	vpop (xrf1)  }
0x70: {  	v7 =	vperm.xlane v7, v4;
	_, v56, _ =	vpop (xrf1)  }
0x71: {  	v8 =	vperm.xlane v8, v4;
	v58, v57, _ =	vpop (xrf1)  }
0x72: {  	v6 =	vsel vm0, v6, v7;
	v7 =	vperm.xlane v54, v4;
	v11 =	vperm.xlane v55, v4;
	v60, v59, _ =	vpop (xrf1)  }
0x73: {  	v8 =	vsel vm0, v9, v8;
	_, v61, _ =	vpop (xrf1);
	v17 =	vperm.xlane v59, v4;
	v12 =	vperm.xlane v60, v4  }
0x74: {  	(xrf1) =	vsort.dscd.msk.f32 $0xffff, v6, v8;
	v6 =	vsel vm0, v58, v11;
	v7 =	vsel vm0, v57, v7;
	v62, v63, _ =	vpop (xrf1)  }
0x75: {  	(xrf1) =	vsort.dscd.msk.f32 $0xffff, v6, v7;
	v6 =	vsel vm0, v62, v12;
	v7 =	vsel vm0, v63, v17  }
0x76: {  	(xrf1) =	vsort.dscd.msk.f32 $0xffff, v6, v7;
	_ =	sdelay $0x7  }
0x77: {  	[tilespmem:s9+$0x8000] =	vst v33  }
0x78: {  	[tilespmem:s10+$0x8000] =	vst v45  }
0x79: {  	[tilespmem:s11+$0x8000] =	vst v5  }
0x7a: {  	[tilespmem:s12+$0x8000] =	vst v56  }
0x7b: {  	[tilespmem:s13+$0x8000] =	vst v61;
	_, v5, _ =	vpop (xrf1)  }
0x7c: {  	s8 =	sadd.s32 $0x1, s8;
	[tilespmem:s14+$0x8000] =	vst v5;
	_, v5, _ =	vpop (xrf1)  }
0x7d: {  	p0 =	sne.s32 s8, s5;
	[tilespmem:s15+$0x8000] =	vst v5;
	_, v5, _ =	vpop (xrf1)  }
.Ltmp1:
0x7e: {  	[tilespmem:s16+$0x8000] =	vst v5;
	(pc) =	sbr.rel @p0 .LBB2_1-.Ltmp1, $4  }
0x7f: {  	[hbm4b:s4+s2] =	stream.linear.scatter [tilespmem:s7], [sflag:$0x1], $0x8000, $0x38;
	[tilespmem:$0x10000] =	vst v63  }
0x80: {  	_ =	swait.ge [sflag:s6], $0x8000  }
0x81: {  	[sflag:s6] =	ssyncset.done $0x0  }
0x82: {  	[sflag:s6] =	ssyncadd.s32 $0xFFFF8000  }
0x83: {  	_ =	sfence.sel $0x180000  }
0x84: {  	[bflag:$0x0] =	sbarrier.arrive $0xFFFF  }
0x85: {  	p0 =	sne.s32 s1, $0x0;
	_ =	strace $0x90000047  }
0x86: {  	s0 =	sadd.s32 @!p0 $0x100000, s0;
	[bflag:$0x2] =	sbarrier.arrive $0xFFFF  }
0x87: {  	[sflag:s0] =	ssyncadd.tile.s32 @!p0 $0x1;
	_ =	shalt  }
.Lfunc_end2:
_tile_overlayer_lowered:
.L_overlay_start_2:
0x88: {  	(tag) =	ssettag $0x2  }
0x89: {  	s0 =	rddreg [dreg:$0x0];
	s2 =	stileid.u32  }
0x8a: {  	s1 =	rddreg [dreg:$0x1];
	p0 =	sne.s32 s2, $0x0  }
0x8b: {  	s3 =	rddreg [dreg:$0x2];
	[bflag:$0x3] =	sbarrier.arrive $0xFFFF;
	s2 =	simm.s32 @!p0 $0x1C01  }
0x8c: {  	[timem:s3], [sflag:s2] =	dma.local @!p0 [hbm:s0], s1  }
0x8d: {  	s0 =	simm.s32 @!p0 $0x1  }
0x8e: {  	_ =	swait.ge @!p0 [sflag:s0], s1  }
0x8f: {  	s1 =	ssub.s32 @!p0 $0x0, s1;
	[sflag:s0] =	ssyncset.done @!p0 $0x0  }
0x90: {  	[sflag:s0] =	ssyncadd.s32 @!p0 s1  }
0x91: {  	[bflag:$0x3] =	sbarrier.arrive $0xFFFF  }
0x92: {  	_ =	shalt  }

</sc_bundles>
